<compile_context>
chip_gen: v7x
topology: tpu7x:2x2x1
jax: 0.10.2.dev20260603
libtpu: 0.0.44.dev20260713+nightly
codegen_flags: <defaults>
</compile_context>

<pallas_src>
import functools

import jax
import jax.numpy as jnp
from jax import lax
from jax.experimental import pallas as pl
from jax.experimental.pallas import tpu as pltpu
from jax.experimental.pallas import tpu_sc as plsc

N_NODES = 10000
N_EDGES = 320000
NC = 2
NS = 16
NW = NC * NS
L = 16

EPW = (N_EDGES // (NW * 128)) * 128
REM = N_EDGES - NW * EPW
C0_UNIT = 1 << 16
N_PAD = ((N_NODES + 127) // 128) * 128


def _sc_histograms(edges):
    mesh = plsc.VectorSubcoreMesh(
        core_axis_name="c", subcore_axis_name="s", num_cores=NC, num_subcores=NS
    )

    @functools.partial(
        pl.kernel,
        mesh=mesh,
        compiler_params=pltpu.CompilerParams(
            needs_layout_passes=False, skip_device_barrier=True
        ),
        out_type=jax.ShapeDtypeStruct((NW, N_PAD), jnp.int32),
        scratch_types=[
            pltpu.VMEM((2, EPW), jnp.int32),
            pltpu.VMEM((2, REM), jnp.int32),
            pltpu.VMEM((N_PAD,), jnp.int32),
            pltpu.SemaphoreType.DMA,
        ],
    )
    def hist_kernel(edges_hbm, hist_out, ev, evr, hist_v, sem):
        wid = lax.axis_index("s") * NC + lax.axis_index("c")
        off = pl.multiple_of(wid * EPW, 128)
        cp = pltpu.async_copy(edges_hbm.at[:, pl.ds(off, EPW)], ev, sem)
        cpr = pltpu.async_copy(edges_hbm.at[:, pl.ds(NW * EPW, REM)], evr, sem)

        zeros = jnp.zeros((L,), jnp.int32)

        def zero_body(i, carry):
            for k in range(4):
                hist_v[pl.ds((i * 4 + k) * L, L)] = zeros
            return carry

        lax.fori_loop(0, N_PAD // (4 * L), zero_body, 0)
        cp.wait()
        cpr.wait()

        ones = jnp.ones((L,), jnp.int32)
        c0u = jnp.full((L,), C0_UNIT, jnp.int32)

        def make_body(buf):
            def body(i, carry):
                s = buf[0, pl.ds(i * L, L)]
                d = buf[1, pl.ds(i * L, L)]
                plsc.addupdate_scatter(hist_v, [d], ones)
                plsc.addupdate_scatter(hist_v, [s], c0u, mask=(d == 0))
                return carry

            return body

        lax.fori_loop(0, EPW // L, make_body(ev), 0)

        @pl.when(wid == 0)
        def _():
            lax.fori_loop(0, REM // L, make_body(evr), 0)

        pltpu.sync_copy(hist_v, hist_out.at[wid])

    return hist_kernel(edges)


def _tc_body(parts_ref, x_ref, wg_ref, bg_ref, wc_ref, bc_ref, out_ref):
    parts = parts_ref[...]
    deg_c = jnp.sum(parts & 0xFFFF, axis=0, keepdims=True)
    c0 = jnp.sum(parts >> 16, axis=0, keepdims=True).astype(jnp.float32)
    deg = deg_c.astype(jnp.float32) + 1.0
    dis = lax.rsqrt(deg)
    col = lax.broadcasted_iota(jnp.int32, (1, N_PAD), 1)
    is0 = col == 0
    dis0 = jnp.sum(jnp.where(is0, dis, 0.0))
    u = c0 * dis + jnp.where(is0, dis0, 0.0)
    s = jnp.dot(u[:, :N_NODES], x_ref[...], preferred_element_type=jnp.float32)
    h = dis0 * jnp.dot(s, wg_ref[...], preferred_element_type=jnp.float32)
    h = h + bg_ref[...]
    out_ref[...] = jnp.dot(h, wc_ref[...], preferred_element_type=jnp.float32) + bc_ref[...]


def _tc_combine(parts, x, W_gcn, b_gcn, W_cls, b_cls):
    return pl.pallas_call(
        _tc_body,
        out_shape=jax.ShapeDtypeStruct((1, W_cls.shape[1]), jnp.float32),
    )(parts, x, W_gcn, b_gcn, W_cls, b_cls)


def kernel(embedding, edges, W_gcn, b_gcn, W_cls, b_cls):
    parts = _sc_histograms(edges.astype(jnp.int32))
    return _tc_combine(
        parts,
        embedding,
        W_gcn,
        b_gcn.reshape(1, -1),
        W_cls,
        b_cls.reshape(1, -1),
    )

# --- scband reference (transcript-rebuilt; emitter-appended) ---
"""Pipeline reference for scband-gcn-model-86577950753153 (READ-ONLY COPY).

The authoritative reference and input builder live on the scoring server;
editing this copy changes nothing except your own understanding.
"""

import jax, jax.numpy as jnp
import numpy as np

N_NODES = 10000
N_EDGES = 320000
IN_DIM = 128
HID_DIM = 128
OUT_DIM = 64


def setup_inputs(seed: int = 0) -> dict:
    key = jax.random.key(seed)
    k1, k2, k3, k4, k5, k6 = jax.random.split(key, 6)
    embedding = jax.random.normal(k1, (N_NODES, IN_DIM), dtype=jnp.float32)
    edges = jax.random.randint(k2, (2, N_EDGES), 0, N_NODES, dtype=jnp.int64)
    # GCNConv params (glorot-ish init)
    W_gcn = jax.random.normal(k3, (IN_DIM, HID_DIM), dtype=jnp.float32) * (1.0 / np.sqrt(IN_DIM))
    b_gcn = jnp.zeros((HID_DIM,), dtype=jnp.float32)
    # classifier params
    W_cls = jax.random.normal(k4, (HID_DIM, OUT_DIM), dtype=jnp.float32) * (1.0 / np.sqrt(HID_DIM))
    b_cls = jax.random.normal(k5, (OUT_DIM,), dtype=jnp.float32) * 0.01
    return {"embedding": embedding, "edges": edges, "W_gcn": W_gcn, "b_gcn": b_gcn, "W_cls": W_cls, "b_cls": b_cls}


def _gcn_conv(x, edge_index, W, b):
    N = x.shape[0]
    src = edge_index[0]
    dst = edge_index[1]
    # add self-loops (PyG GCNConv default add_self_loops=True)
    loop = jnp.arange(N, dtype=edge_index.dtype)
    src = jnp.concatenate([src, loop])
    dst = jnp.concatenate([dst, loop])
    # symmetric normalization deg^{-1/2} A_hat deg^{-1/2}
    deg = jnp.zeros((N,), dtype=x.dtype).at[dst].add(1.0)
    deg_inv_sqrt = jnp.where(deg > 0, deg ** -0.5, 0.0)
    norm = deg_inv_sqrt[src] * deg_inv_sqrt[dst]
    # linear transform then propagate
    xw = x @ W
    msgs = xw[src] * norm[:, None]
    out = jnp.zeros((N, W.shape[1]), dtype=x.dtype).at[dst].add(msgs)
    return out + b


def reference(embedding, edges, W_gcn, b_gcn, W_cls, b_cls):
    emb0 = _gcn_conv(embedding, edges, W_gcn, b_gcn)
    full_logits = emb0 @ W_cls + b_cls
    logits = full_logits[0][None, :]  # [0].unsqueeze(0)
    return logits

if __name__ == "__main__":
    import jax
    _d = setup_inputs()
    print(jax.jit(kernel)(*tuple(_d.values())))

</pallas_src>

<mosaic_0001>
#map = affine_map<(d0, d1) -> (0, 0)>
module attributes {stable_mosaic.version = 14 : i64} {
  func.func @hist_kernel(%arg0: i32, %arg1: i32, %arg2: memref<2x320000xi32, #tpu.memory_space<hbm>>, %arg3: memref<32x10112xi32, #tpu.memory_space<hbm>>, %arg4: memref<2x9984xi32, #tpu.memory_space<vmem>>, %arg5: memref<2x512xi32, #tpu.memory_space<vmem>>, %arg6: memref<10112xi32, #tpu.memory_space<vmem>>, %arg7: memref<!tpu.dma_semaphore, #tpu.memory_space<semaphore_mem>>) attributes {dimension_semantics = [#tpu.dimension_semantics<core_parallel>, #tpu.dimension_semantics<subcore_parallel>], iteration_bounds = array<i64: 2, 16>, scalar_prefetch = 0 : i64, scratch_operands = 4 : i64, tpu.core_type = #tpu.core_type<sc_vector_subcore>, window_params = [{transform_indices = #map}, {transform_indices = #map}]} {
    %mul3A = arith.constant 2 : i32
    %mul3A_0 = arith.muli %arg1, %mul3A : i32
    %add3A = arith.addi %mul3A_0, %arg0 : i32
    %mul3A_1 = arith.constant 9984 : i32
    %mul3A_2 = arith.muli %add3A, %mul3A_1 : i32
    %multiple_of3A = tpu.assume_multiple %mul3A_2, 128 : i32
    %dma_start3A = arith.constant 0 : i32
    %dma_start3A_3 = tpu.memref_slice %arg2[%dma_start3A, %multiple_of3A] : memref<2x320000xi32, #tpu.memory_space<hbm>> -> memref<2x9984xi32, #tpu.memory_space<hbm>>
    %dma_start3A_4 = arith.constant 0 : i32
    %dma_start3A_5 = tpu.memref_slice %arg2[%dma_start3A_4, %multiple_of3A] : memref<2x320000xi32, #tpu.memory_space<hbm>> -> memref<2x9984xi32, #tpu.memory_space<hbm>>
    tpu.enqueue_dma source(%dma_start3A_5 : memref<2x9984xi32, #tpu.memory_space<hbm>>) target(%arg4 : memref<2x9984xi32, #tpu.memory_space<vmem>>) target_semaphore(%arg7 : memref<!tpu.dma_semaphore, #tpu.memory_space<semaphore_mem>>)
    %dma_start3A_6 = arith.constant 0 : i32
    %dma_start3A_7 = arith.constant 319488 : i32
    %dma_start3A_8 = tpu.memref_slice %arg2[%dma_start3A_6, %dma_start3A_7] : memref<2x320000xi32, #tpu.memory_space<hbm>> -> memref<2x512xi32, #tpu.memory_space<hbm>>
    %dma_start3A_9 = arith.constant 0 : i32
    %dma_start3A_10 = arith.constant 319488 : i32
    %dma_start3A_11 = tpu.memref_slice %arg2[%dma_start3A_9, %dma_start3A_10] : memref<2x320000xi32, #tpu.memory_space<hbm>> -> memref<2x512xi32, #tpu.memory_space<hbm>>
    tpu.enqueue_dma source(%dma_start3A_11 : memref<2x512xi32, #tpu.memory_space<hbm>>) target(%arg5 : memref<2x512xi32, #tpu.memory_space<vmem>>) target_semaphore(%arg7 : memref<!tpu.dma_semaphore, #tpu.memory_space<semaphore_mem>>)
    %broadcast_in_dim3A = arith.constant 0 : i32
    %broadcast_in_dim3A_12 = vector.broadcast %broadcast_in_dim3A : i32 to vector<16xi32>
    %scan3A = arith.constant 0 : i32
    %scan3A_13 = arith.constant 0 : i32
    %scan3A_14 = arith.constant 158 : i32
    %scan3A_15 = arith.addi %scan3A_13, %scan3A_14 : i32
    %scan3A_16 = arith.constant 1 : i32
    scf.for %scan3A_39 = %scan3A_13 to %scan3A_15 step %scan3A_16  : i32 {
      %mul3A_40 = arith.constant 4 : i32
      %mul3A_41 = arith.muli %scan3A_39, %mul3A_40 : i32
      %add3A_42 = arith.constant 0 : i32
      %add3A_43 = arith.addi %mul3A_41, %add3A_42 : i32
      %mul3A_44 = arith.constant 16 : i32
      %mul3A_45 = arith.muli %add3A_43, %mul3A_44 : i32
      %swap3A = arith.index_cast %mul3A_45 : i32 to index
      %swap3A_46 = tpu.vector_load %arg6[%swap3A] {strides = array<i32>} : memref<10112xi32, #tpu.memory_space<vmem>>, vector<16xi32>,
      tpu.vector_store %arg6[%swap3A], %broadcast_in_dim3A_12 {strides = array<i32>} : memref<10112xi32, #tpu.memory_space<vmem>>, vector<16xi32>,
      %mul3A_47 = arith.constant 4 : i32
      %mul3A_48 = arith.muli %scan3A_39, %mul3A_47 : i32
      %add3A_49 = arith.constant 1 : i32
      %add3A_50 = arith.addi %mul3A_48, %add3A_49 : i32
      %mul3A_51 = arith.constant 16 : i32
      %mul3A_52 = arith.muli %add3A_50, %mul3A_51 : i32
      %swap3A_53 = arith.index_cast %mul3A_52 : i32 to index
      %swap3A_54 = tpu.vector_load %arg6[%swap3A_53] {strides = array<i32>} : memref<10112xi32, #tpu.memory_space<vmem>>, vector<16xi32>,
      tpu.vector_store %arg6[%swap3A_53], %broadcast_in_dim3A_12 {strides = array<i32>} : memref<10112xi32, #tpu.memory_space<vmem>>, vector<16xi32>,
      %mul3A_55 = arith.constant 4 : i32
      %mul3A_56 = arith.muli %scan3A_39, %mul3A_55 : i32
      %add3A_57 = arith.constant 2 : i32
      %add3A_58 = arith.addi %mul3A_56, %add3A_57 : i32
      %mul3A_59 = arith.constant 16 : i32
      %mul3A_60 = arith.muli %add3A_58, %mul3A_59 : i32
      %swap3A_61 = arith.index_cast %mul3A_60 : i32 to index
      %swap3A_62 = tpu.vector_load %arg6[%swap3A_61] {strides = array<i32>} : memref<10112xi32, #tpu.memory_space<vmem>>, vector<16xi32>,
      tpu.vector_store %arg6[%swap3A_61], %broadcast_in_dim3A_12 {strides = array<i32>} : memref<10112xi32, #tpu.memory_space<vmem>>, vector<16xi32>,
      %mul3A_63 = arith.constant 4 : i32
      %mul3A_64 = arith.muli %scan3A_39, %mul3A_63 : i32
      %add3A_65 = arith.constant 3 : i32
      %add3A_66 = arith.addi %mul3A_64, %add3A_65 : i32
      %mul3A_67 = arith.constant 16 : i32
      %mul3A_68 = arith.muli %add3A_66, %mul3A_67 : i32
      %swap3A_69 = arith.index_cast %mul3A_68 : i32 to index
      %swap3A_70 = tpu.vector_load %arg6[%swap3A_69] {strides = array<i32>} : memref<10112xi32, #tpu.memory_space<vmem>>, vector<16xi32>,
      tpu.vector_store %arg6[%swap3A_69], %broadcast_in_dim3A_12 {strides = array<i32>} : memref<10112xi32, #tpu.memory_space<vmem>>, vector<16xi32>,
    }
    %scan3A_17 = arith.constant 158 : i32
    %dma_wait3A = arith.constant 0 : i32
    %dma_wait3A_18 = tpu.memref_slice %arg2[%dma_wait3A, %multiple_of3A] : memref<2x320000xi32, #tpu.memory_space<hbm>> -> memref<2x9984xi32, #tpu.memory_space<hbm>>
    %dma_wait3A_19 = arith.constant 0 : i32
    %dma_wait3A_20 = tpu.memref_slice %arg2[%dma_wait3A_19, %multiple_of3A] : memref<2x320000xi32, #tpu.memory_space<hbm>> -> memref<2x9984xi32, #tpu.memory_space<hbm>>
    tpu.wait_dma2 semaphore(%arg7 : memref<!tpu.dma_semaphore, #tpu.memory_space<semaphore_mem>>) src(%dma_wait3A_20 : memref<2x9984xi32, #tpu.memory_space<hbm>>) dst(%arg4 : memref<2x9984xi32, #tpu.memory_space<vmem>>)
    %dma_wait3A_21 = arith.constant 0 : i32
    %dma_wait3A_22 = arith.constant 319488 : i32
    %dma_wait3A_23 = tpu.memref_slice %arg2[%dma_wait3A_21, %dma_wait3A_22] : memref<2x320000xi32, #tpu.memory_space<hbm>> -> memref<2x512xi32, #tpu.memory_space<hbm>>
    %dma_wait3A_24 = arith.constant 0 : i32
    %dma_wait3A_25 = arith.constant 319488 : i32
    %dma_wait3A_26 = tpu.memref_slice %arg2[%dma_wait3A_24, %dma_wait3A_25] : memref<2x320000xi32, #tpu.memory_space<hbm>> -> memref<2x512xi32, #tpu.memory_space<hbm>>
    tpu.wait_dma2 semaphore(%arg7 : memref<!tpu.dma_semaphore, #tpu.memory_space<semaphore_mem>>) src(%dma_wait3A_26 : memref<2x512xi32, #tpu.memory_space<hbm>>) dst(%arg5 : memref<2x512xi32, #tpu.memory_space<vmem>>)
    %broadcast_in_dim3A_27 = arith.constant 1 : i32
    %broadcast_in_dim3A_28 = vector.broadcast %broadcast_in_dim3A_27 : i32 to vector<16xi32>
    %broadcast_in_dim3A_29 = arith.constant 65536 : i32
    %broadcast_in_dim3A_30 = vector.broadcast %broadcast_in_dim3A_29 : i32 to vector<16xi32>
    %scan3A_31 = arith.constant 0 : i32
    %scan3A_32 = arith.constant 0 : i32
    %scan3A_33 = arith.constant 624 : i32
    %scan3A_34 = arith.addi %scan3A_32, %scan3A_33 : i32
    %scan3A_35 = arith.constant 1 : i32
    scf.for %scan3A_39 = %scan3A_32 to %scan3A_34 step %scan3A_35  : i32 {
      %mul3A_40 = arith.constant 16 : i32
      %mul3A_41 = arith.muli %scan3A_39, %mul3A_40 : i32
      %get3A = arith.constant 0 : i32
      %get3A_42 = arith.index_cast %get3A : i32 to index
      %get3A_43 = arith.index_cast %mul3A_41 : i32 to index
      %get3A_44 = tpu.vector_load %arg4[%get3A_42, %get3A_43] {strides = array<i32>} : memref<2x9984xi32, #tpu.memory_space<vmem>>, vector<16xi32>,
      %mul3A_45 = arith.constant 16 : i32
      %mul3A_46 = arith.muli %scan3A_39, %mul3A_45 : i32
      %get3A_47 = arith.constant 1 : i32
      %get3A_48 = arith.index_cast %get3A_47 : i32 to index
      %get3A_49 = arith.index_cast %mul3A_46 : i32 to index
      %get3A_50 = tpu.vector_load %arg4[%get3A_48, %get3A_49] {strides = array<i32>} : memref<2x9984xi32, #tpu.memory_space<vmem>>, vector<16xi32>,
      tpu.vector_store_idx %arg6[%get3A_50], %broadcast_in_dim3A_28 {add = true} : memref<10112xi32, #tpu.memory_space<vmem>>[vector<16xi32>], vector<16xi32>,
      %eq3A_51 = arith.constant 0 : i32
      %eq3A_52 = vector.broadcast %eq3A_51 : i32 to vector<16xi32>
      %eq3A_53 = arith.cmpi eq, %get3A_50, %eq3A_52 : vector<16xi32>
      tpu.vector_store_idx %arg6[%get3A_44], %broadcast_in_dim3A_30 masked %eq3A_53 {add = true} : memref<10112xi32, #tpu.memory_space<vmem>>[vector<16xi32>], vector<16xi32>, vector<16xi1>
    }
    %scan3A_36 = arith.constant 624 : i32
    %eq3A = arith.constant 0 : i32
    %eq3A_37 = arith.cmpi eq, %add3A, %eq3A : i32
    %convert_element_type3A = arith.extui %eq3A_37 : i1 to i32
    %cond3A = arith.constant 0 : i32
    %cond3A_38 = arith.cmpi ne, %convert_element_type3A, %cond3A : i32
    scf.if %cond3A_38 {
      %scan3A_39 = arith.constant 0 : i32
      %scan3A_40 = arith.constant 0 : i32
      %scan3A_41 = arith.constant 32 : i32
      %scan3A_42 = arith.addi %scan3A_40, %scan3A_41 : i32
      %scan3A_43 = arith.constant 1 : i32
      scf.for %scan3A_45 = %scan3A_40 to %scan3A_42 step %scan3A_43  : i32 {
        %mul3A_46 = arith.constant 16 : i32
        %mul3A_47 = arith.muli %scan3A_45, %mul3A_46 : i32
        %get3A = arith.constant 0 : i32
        %get3A_48 = arith.index_cast %get3A : i32 to index
        %get3A_49 = arith.index_cast %mul3A_47 : i32 to index
        %get3A_50 = tpu.vector_load %arg5[%get3A_48, %get3A_49] {strides = array<i32>} : memref<2x512xi32, #tpu.memory_space<vmem>>, vector<16xi32>,
        %mul3A_51 = arith.constant 16 : i32
        %mul3A_52 = arith.muli %scan3A_45, %mul3A_51 : i32
        %get3A_53 = arith.constant 1 : i32
        %get3A_54 = arith.index_cast %get3A_53 : i32 to index
        %get3A_55 = arith.index_cast %mul3A_52 : i32 to index
        %get3A_56 = tpu.vector_load %arg5[%get3A_54, %get3A_55] {strides = array<i32>} : memref<2x512xi32, #tpu.memory_space<vmem>>, vector<16xi32>,
        tpu.vector_store_idx %arg6[%get3A_56], %broadcast_in_dim3A_28 {add = true} : memref<10112xi32, #tpu.memory_space<vmem>>[vector<16xi32>], vector<16xi32>,
        %eq3A_57 = arith.constant 0 : i32
        %eq3A_58 = vector.broadcast %eq3A_57 : i32 to vector<16xi32>
        %eq3A_59 = arith.cmpi eq, %get3A_56, %eq3A_58 : vector<16xi32>
        tpu.vector_store_idx %arg6[%get3A_50], %broadcast_in_dim3A_30 masked %eq3A_59 {add = true} : memref<10112xi32, #tpu.memory_space<vmem>>[vector<16xi32>], vector<16xi32>, vector<16xi1>
      }
      %scan3A_44 = arith.constant 32 : i32
    } else {
    }
    "tpu.region"() ({
      %run_scoped3A = tpu.sem_alloc : memref<!tpu.dma_semaphore, #tpu.memory_space<semaphore_mem>>
      %dma_start3A_39 = arith.constant 0 : i32
      %dma_start3A_40 = tpu.memref_slice %arg3[%add3A, %dma_start3A_39] : memref<32x10112xi32, #tpu.memory_space<hbm>> -> memref<1x10112xi32, #tpu.memory_space<hbm>>
      %dma_start3A_41 = tpu.memref_squeeze %dma_start3A_40 : memref<1x10112xi32, #tpu.memory_space<hbm>> -> memref<10112xi32, #tpu.memory_space<hbm>>
      %dma_start3A_42 = arith.constant 0 : i32
      %dma_start3A_43 = tpu.memref_slice %arg3[%add3A, %dma_start3A_42] : memref<32x10112xi32, #tpu.memory_space<hbm>> -> memref<1x10112xi32, #tpu.memory_space<hbm>>
      %dma_start3A_44 = tpu.memref_squeeze %dma_start3A_43 : memref<1x10112xi32, #tpu.memory_space<hbm>> -> memref<10112xi32, #tpu.memory_space<hbm>>
      tpu.enqueue_dma source(%arg6 : memref<10112xi32, #tpu.memory_space<vmem>>) target(%dma_start3A_44 : memref<10112xi32, #tpu.memory_space<hbm>>) target_semaphore(%run_scoped3A : memref<!tpu.dma_semaphore, #tpu.memory_space<semaphore_mem>>)
      %dma_wait3A_45 = arith.constant 0 : i32
      %dma_wait3A_46 = tpu.memref_slice %arg3[%add3A, %dma_wait3A_45] : memref<32x10112xi32, #tpu.memory_space<hbm>> -> memref<1x10112xi32, #tpu.memory_space<hbm>>
      %dma_wait3A_47 = tpu.memref_squeeze %dma_wait3A_46 : memref<1x10112xi32, #tpu.memory_space<hbm>> -> memref<10112xi32, #tpu.memory_space<hbm>>
      %dma_wait3A_48 = arith.constant 0 : i32
      %dma_wait3A_49 = tpu.memref_slice %arg3[%add3A, %dma_wait3A_48] : memref<32x10112xi32, #tpu.memory_space<hbm>> -> memref<1x10112xi32, #tpu.memory_space<hbm>>
      %dma_wait3A_50 = tpu.memref_squeeze %dma_wait3A_49 : memref<1x10112xi32, #tpu.memory_space<hbm>> -> memref<10112xi32, #tpu.memory_space<hbm>>
      tpu.wait_dma2 semaphore(%run_scoped3A : memref<!tpu.dma_semaphore, #tpu.memory_space<semaphore_mem>>) src(%arg6 : memref<10112xi32, #tpu.memory_space<vmem>>) dst(%dma_wait3A_50 : memref<10112xi32, #tpu.memory_space<hbm>>)
      tpu.yield
    }) : () -> ()
    return
  }
}

module attributes {stable_mosaic.version = 14 : i64} {
  func.func @_tc_body(%arg0: memref<32x10112xi32, #tpu.memory_space<vmem>>, %arg1: memref<10000x128xf32, #tpu.memory_space<vmem>>, %arg2: memref<128x128xf32, #tpu.memory_space<vmem>>, %arg3: memref<1x128xf32, #tpu.memory_space<vmem>>, %arg4: memref<128x64xf32, #tpu.memory_space<vmem>>, %arg5: memref<1x64xf32, #tpu.memory_space<vmem>>, %arg6: memref<1x64xf32, #tpu.memory_space<vmem>>) attributes {dimension_semantics = [], scalar_prefetch = 0 : i64, scratch_operands = 0 : i64, tpu.core_type = #tpu.core_type<tc>} {
    %get3A = arith.constant 0 : index
    %get3A_0 = arith.constant 0 : index
    %get3A_1 = vector.load %arg0[%get3A, %get3A_0] : memref<32x10112xi32, #tpu.memory_space<vmem>>, vector<32x10112xi32>
    %and3A = arith.constant 65535 : i32
    %and3A_2 = vector.broadcast %and3A : i32 to vector<32x10112xi32>
    %and3A_3 = arith.andi %get3A_1, %and3A_2 : vector<32x10112xi32>
    %reduce_sum3A = arith.constant dense<0> : vector<10112xi32>
    %reduce_sum3A_4 = vector.multi_reduction <add>, %and3A_3, %reduce_sum3A [0] : vector<32x10112xi32> to vector<10112xi32>
    %broadcast_in_dim3A = vector.shape_cast %reduce_sum3A_4 : vector<10112xi32> to vector<1x10112xi32>
    %shift_right_arithmetic3A = arith.constant 16 : i32
    %shift_right_arithmetic3A_5 = vector.broadcast %shift_right_arithmetic3A : i32 to vector<32x10112xi32>
    %shift_right_arithmetic3A_6 = arith.shrsi %get3A_1, %shift_right_arithmetic3A_5 : vector<32x10112xi32>
    %reduce_sum3A_7 = arith.constant dense<0> : vector<10112xi32>
    %reduce_sum3A_8 = vector.multi_reduction <add>, %shift_right_arithmetic3A_6, %reduce_sum3A_7 [0] : vector<32x10112xi32> to vector<10112xi32>
    %broadcast_in_dim3A_9 = vector.shape_cast %reduce_sum3A_8 : vector<10112xi32> to vector<1x10112xi32>
    %convert_element_type3A = arith.sitofp %broadcast_in_dim3A_9 : vector<1x10112xi32> to vector<1x10112xf32>
    %convert_element_type3A_10 = arith.sitofp %broadcast_in_dim3A : vector<1x10112xi32> to vector<1x10112xf32>
    %add3A = arith.constant 1.000000e+00 : f32
    %add3A_11 = vector.broadcast %add3A : f32 to vector<1x10112xf32>
    %add3A_12 = arith.addf %convert_element_type3A_10, %add3A_11 : vector<1x10112xf32>
    %rsqrt3A = math.rsqrt %add3A_12 : vector<1x10112xf32>
    %iota3A = tpu.iota {dimensions = array<i32: 1>} : vector<1x10112xi32>
    %eq3A = arith.constant 0 : i32
    %eq3A_13 = vector.broadcast %eq3A : i32 to vector<1x10112xi32>
    %eq3A_14 = arith.cmpi eq, %iota3A, %eq3A_13 : vector<1x10112xi32>
    %jit3A = arith.constant 0.000000e+00 : f32
    %broadcast_in_dim3A_15 = vector.broadcast %jit3A : f32 to vector<1x10112xf32>
    %select_n3A = arith.select %eq3A_14, %rsqrt3A, %broadcast_in_dim3A_15 : vector<1x10112xi1>, vector<1x10112xf32>
    %reduce_sum3A_16 = vector.shape_cast %select_n3A : vector<1x10112xf32> to vector<1x1x10112xf32>
    %reduce_sum3A_17 = arith.constant dense<0.000000e+00> : vector<1xf32>
    %reduce_sum3A_18 = vector.multi_reduction <add>, %reduce_sum3A_16, %reduce_sum3A_17 [1, 2] : vector<1x1x10112xf32> to vector<1xf32>
    %reduce_sum3A_19 = vector.shape_cast %reduce_sum3A_18 : vector<1xf32> to vector<1x1x1xf32>
    %reduce_sum3A_20 = vector.extract %reduce_sum3A_19[0, 0, 0] : f32 from vector<1x1x1xf32>
    %mul3A = arith.mulf %convert_element_type3A, %rsqrt3A : vector<1x10112xf32>
    %jit3A_21 = arith.constant 0.000000e+00 : f32
    %broadcast_in_dim3A_22 = vector.broadcast %reduce_sum3A_20 : f32 to vector<1x10112xf32>
    %broadcast_in_dim3A_23 = vector.broadcast %jit3A_21 : f32 to vector<1x10112xf32>
    %select_n3A_24 = arith.select %eq3A_14, %broadcast_in_dim3A_22, %broadcast_in_dim3A_23 : vector<1x10112xi1>, vector<1x10112xf32>
    %add3A_25 = arith.addf %mul3A, %select_n3A_24 : vector<1x10112xf32>
    %slice3A = vector.extract_strided_slice %add3A_25 {offsets = [0, 0], sizes = [1, 10000], strides = [1, 1]} : vector<1x10112xf32> to vector<1x10000xf32>
    %get3A_26 = arith.constant 0 : index
    %get3A_27 = arith.constant 0 : index
    %get3A_28 = vector.load %arg1[%get3A_26, %get3A_27] : memref<10000x128xf32, #tpu.memory_space<vmem>>, vector<10000x128xf32>
    %dot_general3A = arith.constant dense<0.000000e+00> : vector<1x128xf32>
    %dot_general3A_29 = tpu.matmul %slice3A, %get3A_28, %dot_general3A {dimension_numbers = #tpu.dot_dimension_numbers<[1], [0], [0], [1], [0, 0, 1, 1], [], []>, transpose_lhs_hint = false} : vector<1x10000xf32>, vector<10000x128xf32>, vector<1x128xf32> -> vector<1x128xf32>
    %get3A_30 = arith.constant 0 : index
    %get3A_31 = arith.constant 0 : index
    %get3A_32 = vector.load %arg2[%get3A_30, %get3A_31] : memref<128x128xf32, #tpu.memory_space<vmem>>, vector<128x128xf32>
    %dot_general3A_33 = arith.constant dense<0.000000e+00> : vector<1x128xf32>
    %dot_general3A_34 = tpu.matmul %dot_general3A_29, %get3A_32, %dot_general3A_33 {dimension_numbers = #tpu.dot_dimension_numbers<[1], [0], [0], [1], [0, 0, 1, 1], [], []>, transpose_lhs_hint = false} : vector<1x128xf32>, vector<128x128xf32>, vector<1x128xf32> -> vector<1x128xf32>
    %mul3A_35 = vector.broadcast %reduce_sum3A_20 : f32 to vector<1x128xf32>
    %mul3A_36 = arith.mulf %mul3A_35, %dot_general3A_34 : vector<1x128xf32>
    %get3A_37 = arith.constant 0 : index
    %get3A_38 = arith.constant 0 : index
    %get3A_39 = vector.load %arg3[%get3A_37, %get3A_38] : memref<1x128xf32, #tpu.memory_space<vmem>>, vector<1x128xf32>
    %add3A_40 = arith.addf %mul3A_36, %get3A_39 : vector<1x128xf32>
    %get3A_41 = arith.constant 0 : index
    %get3A_42 = arith.constant 0 : index
    %get3A_43 = vector.load %arg4[%get3A_41, %get3A_42] : memref<128x64xf32, #tpu.memory_space<vmem>>, vector<128x64xf32>
    %dot_general3A_44 = arith.constant dense<0.000000e+00> : vector<1x64xf32>
    %dot_general3A_45 = tpu.matmul %add3A_40, %get3A_43, %dot_general3A_44 {dimension_numbers = #tpu.dot_dimension_numbers<[1], [0], [0], [1], [0, 0, 1, 1], [], []>, transpose_lhs_hint = false} : vector<1x128xf32>, vector<128x64xf32>, vector<1x64xf32> -> vector<1x64xf32>
    %get3A_46 = arith.constant 0 : index
    %get3A_47 = arith.constant 0 : index
    %get3A_48 = vector.load %arg5[%get3A_46, %get3A_47] : memref<1x64xf32, #tpu.memory_space<vmem>>, vector<1x64xf32>
    %add3A_49 = arith.addf %dot_general3A_45, %get3A_48 : vector<1x64xf32>
    %swap3A = arith.constant 0 : index
    %swap3A_50 = arith.constant 0 : index
    %swap3A_51 = vector.load %arg6[%swap3A, %swap3A_50] : memref<1x64xf32, #tpu.memory_space<vmem>>, vector<1x64xf32>
    tpu.vector_store %arg6[%swap3A, %swap3A_50], %add3A_49 {strides = array<i32>} : memref<1x64xf32, #tpu.memory_space<vmem>>, vector<1x64xf32>,
    return
  }
}

</mosaic_0001>

<sc_bundles>
// kernel: kernel.4.cloned.1.call-start
scs
__scs_entry_jumppad:
0x0: {  	(pc) =	sbr.rel $0x88, $3  }
0x1: {  	(tag) =	ssettag $0x0;
	lr =	simm.s32 $0x1  }
0x2: {  	[smem:$0x3F9B] =	sst lr;
	_ =	strace $0xD0000000  }
0x3: {  	_ = 	snop  }
0x4: {  	_ = 	snop  }
0x5: {  	_ = 	snop  }
0x6: {  	_ = 	snop  }
0x7: {  	_ = 	snop  }
__scs_overlays_trampoline_lowered:
0x8: {  	[smem:$0x3FAA] =	sst s0  }
0x9: {  	[smem:$0x3FAB] =	sst s1  }
0xa: {  	[smem:$0x3FAC] =	sst s2  }
0xb: {  	[smem:$0x3FAD] =	sst s3  }
0xc: {  	[smem:$0x3FAE] =	sst s4  }
0xd: {  	[smem:$0x3FAF] =	sst s5  }
0xe: {  	[smem:$0x3FB0] =	sst s6  }
0xf: {  	[smem:$0x3FB1] =	sst s7  }
0x10: {  	[smem:$0x3FB2] =	sst s8  }
0x11: {  	[smem:$0x3FB3] =	sst s9;
	s0 =	simm.s32 @!p0 $0x0  }
0x12: {  	s1 =	sld [smem:$0x3F99];
	s0 =	simm.s32 @p0 $0x1  }
0x13: {  	[smem:$0x3FB4] =	sst s0;
	s0 =	simm.s32 @!p1 $0x0  }
0x14: {  	s2 =	sld [smem:$0x3F98];
	s0 =	simm.s32 @p1 $0x1  }
0x15: {  	[smem:$0x3FB5] =	sst s0;
	s0 =	simm.s32 @!p2 $0x0  }
0x16: {  	s3 =	sld [smem:$0x3FDB];
	s0 =	simm.s32 @p2 $0x1  }
0x17: {  	s4 =	simm.s32 $0x1BF5;
	[smem:$0x3FB7] =	sst s0  }
0x18: {  	s0 =	sld [smem:$0x3F9A];
	_ =	swait.ge [sflag:s4], $0x0  }
0x19: {  	s7 =	sld [smem:$0x3F9B]  }
0x1a: {  	s8 =	sadd.s32 $0xFFFFE003, lr  }
0x1b: {  	s9 =	sadd.s32 $0xFFFFFEF7, lr;
	s5 =	simm.s32 $0xFFFFFFFF;
	p2 =	slt.u32 s8, $0xFFFFF086  }
0x1c: {  	p1 =	slt.u32 s9, $0xF7A;
	s5 =	simm.s32 @!p2 $0x0  }
0x1d: {  	s5 =	simm.s32 @p1 $0x1;
	p0 =	seq.s32 s7, s2  }
0x1e: {  	s7 =	smul.u32 @!p0 $0xF7A, s2;
	p2 =	seq.s32 @!p0 s5, $0x0  }
0x1f: {  	s9 =	smul.u32 $0xF7A, s1;
	s8 =	simm.s32 @!p0 $0x1BF5;
	p2 =	por !p2, p0  }
0x20: {  	[sflag:s8] =	ssyncset.s32 @!p0 $0xFFFFF086;
	s6 =	sadd.s32 @!p0 s3, s7;
	s7 =	simm.s32 @!p0 $0x108  }
0x21: {  	s3 =	sadd.s32 s3, s9;
	s6 =	sadd.s32 @!p0 $0x88, s6;
	s7 =	simm.s32 @p2 $0x1082  }
0x22: {  	[simem:s7], [sflag:s8] =	dma.local @!p0 [hbm:s6], $0xF7A  }
0x23: {  	s9 =	sor.u32 $0xD0000000, s2;
	s6 =	simm.s32 $0x108;
	_ =	swait.ge @!p0 [sflag:s8], $0x0  }
0x24: {  	s3 =	sadd.s32 $0x88, s3;
	s6 =	simm.s32 @!p1 $0x1082;
	[sflag:s4] =	ssyncset.s32 $0xFFFFF086  }
0x25: {  	[simem:s6], [sflag:s4] =	dma.local [hbm:s3], $0xF7A  }
0x26: {  	[smem:$0x3F9B] =	sst s1;
	(tag) =	ssettag s2;
	_ =	strace s9  }
0x27: {  	s1 =	sld [smem:$0x3FAB]  }
0x28: {  	s2 =	sld [smem:$0x3FAC]  }
0x29: {  	s4 =	sld [smem:$0x3FAE]  }
0x2a: {  	p0 =	seq.s32 s5, $0x0;
	s5 =	sld [smem:$0x3FAF]  }
0x2b: {  	s6 =	sld [smem:$0x3FB0]  }
0x2c: {  	s7 =	sld [smem:$0x3FB1]  }
0x2d: {  	s3 =	simm.s32 $0x108;
	s8 =	sld [smem:$0x3FB2]  }
0x2e: {  	s3 =	simm.s32 @!p0 $0x1082;
	s9 =	sld [smem:$0x3FB3]  }
0x2f: {  	lr =	sadd.s32 s0, s3;
	s0 =	sld [smem:$0x3FAA]  }
0x30: {  	s3 =	sld [smem:$0x3FAD]  }
0x31: {  	[smem:$0x3FB6] =	sst s10  }
0x32: {  	s10 =	sld [smem:$0x3FB4];
	_ =	sdelay $0x3  }
0x33: {  	p0 =	seq.s32 s10, $0x1;
	s10 =	sld [smem:$0x3FB6];
	_ =	sdelay $0x3  }
0x34: {  	[smem:$0x3FB6] =	sst s10  }
0x35: {  	s10 =	sld [smem:$0x3FB5];
	_ =	sdelay $0x3  }
0x36: {  	p1 =	seq.s32 s10, $0x1;
	s10 =	sld [smem:$0x3FB6];
	_ =	sdelay $0x3  }
0x37: {  	[smem:$0x3FB6] =	sst s10  }
0x38: {  	s10 =	sld [smem:$0x3FB7]  }
0x39: {  	_ = 	snop;
	(pc) =	sbr.ind lr, $3  }
0x3a: {  	_ = 	snop  }
0x3b: {  	_ = 	snop  }
0x3c: {  	p2 =	seq.s32 s10, $0x1;
	s10 =	sld [smem:$0x3FB6]  }
0x3d: {  	_ =	shalt  }
0x3e: {  	_ =	shalt  }
0x3f: {  	_ =	shalt  }
0x40: {  	_ =	shalt  }
0x41: {  	_ =	shalt  }
0x42: {  	_ =	shalt  }
0x43: {  	_ =	shalt  }
0x44: {  	_ =	shalt  }
0x45: {  	_ =	shalt  }
0x46: {  	_ =	shalt  }
0x47: {  	_ =	shalt  }
0x48: {  	_ =	shalt  }
0x49: {  	_ =	shalt  }
0x4a: {  	_ =	shalt  }
0x4b: {  	_ =	shalt  }
0x4c: {  	_ =	shalt  }
0x4d: {  	_ =	shalt  }
0x4e: {  	_ =	shalt  }
0x4f: {  	_ =	shalt  }
0x50: {  	_ =	shalt  }
0x51: {  	_ =	shalt  }
0x52: {  	_ =	shalt  }
0x53: {  	_ =	shalt  }
0x54: {  	_ =	shalt  }
0x55: {  	_ =	shalt  }
0x56: {  	_ =	shalt  }
0x57: {  	_ =	shalt  }
0x58: {  	_ =	shalt  }
0x59: {  	_ =	shalt  }
0x5a: {  	_ =	shalt  }
0x5b: {  	_ =	shalt  }
0x5c: {  	_ =	shalt  }
0x5d: {  	_ =	shalt  }
0x5e: {  	_ =	shalt  }
0x5f: {  	_ =	shalt  }
0x60: {  	_ =	shalt  }
0x61: {  	_ =	shalt  }
0x62: {  	_ =	shalt  }
0x63: {  	_ =	shalt  }
0x64: {  	_ =	shalt  }
0x65: {  	_ =	shalt  }
0x66: {  	_ =	shalt  }
0x67: {  	_ =	shalt  }
0x68: {  	_ =	shalt  }
0x69: {  	_ =	shalt  }
0x6a: {  	_ =	shalt  }
0x6b: {  	_ =	shalt  }
0x6c: {  	_ =	shalt  }
0x6d: {  	_ =	shalt  }
0x6e: {  	_ =	shalt  }
0x6f: {  	_ =	shalt  }
0x70: {  	_ =	shalt  }
0x71: {  	_ =	shalt  }
0x72: {  	_ =	shalt  }
0x73: {  	_ =	shalt  }
0x74: {  	_ =	shalt  }
0x75: {  	_ =	shalt  }
0x76: {  	_ =	shalt  }
0x77: {  	_ =	shalt  }
0x78: {  	_ =	shalt  }
0x79: {  	_ =	shalt  }
0x7a: {  	_ =	shalt  }
0x7b: {  	_ =	shalt  }
0x7c: {  	_ =	shalt  }
0x7d: {  	_ =	shalt  }
0x7e: {  	_ =	shalt  }
0x7f: {  	_ =	shalt  }
0x80: {  	_ =	shalt  }
0x81: {  	_ =	shalt  }
0x82: {  	_ =	shalt  }
0x83: {  	_ =	shalt  }
0x84: {  	_ =	shalt  }
0x85: {  	_ =	shalt  }
0x86: {  	_ =	shalt  }
0x87: {  	_ =	shalt  }
.Lfunc_end0:
.L_simem_size_0:
called_computation_lowered:
.L_overlay_start_0:
0x88: {  	s2 =	sld [smem:$0x3FD9]  }
0x89: {  	s3 =	sld [smem:$0x3FFE];
	_ =	sdelay $0x1  }
0x8a: {  	s1 =	srdreg.scid  }
0x8b: {  	s0 =	sand.u32 $0x1, s1  }
0x8c: {  	s17 =	sshll.u32 s0, $0xA;
	s2 =	sadd.s32 s3, s2  }
0x8d: {  	s2 =	sadd.s32 s2, s17  }
0x8e: {  	[smem:$0x3FC2] =	sst s2  }
0x8f: {  	_ = 	snop  }
0x90: {  	s2 =	sld [smem:$0x3FC8];
	(tm) =	ssettm $0x1  }
0x91: {  	s18 =	sld [smem:$0x3FFB];
	_ =	sdelay $0x3  }
0x92: {  	_ =	strace s18  }
0x93: {  	s3 =	sld [smem:$0x3FFC];
	_ =	sdelay $0x3  }
0x94: {  	_ =	strace s3  }
0x95: {  	s3 =	sld [smem:$0x3FFD];
	_ =	sdelay $0x3  }
0x96: {  	_ =	strace s3  }
0x97: {  	_ =	strace $0x8FFFFFFF  }
0x98: {  	s19 =	sld [smem:$0x3FDB];
	_ =	sdelay $0x1  }
0x99: {  	s4 =	simm.s32 $_scs_section_size  }
0x9a: {  	s5 =	simm.s32 $_size__tile_overlayer_lowered;
	s6 =	simm.s32 $_tile_overlayer_lowered  }
0x9b: {  	s22 =	simm.s32 $0x1BFF;
	s21 =	sshll.u32 s6, $0x1;
	s3 =	sadd.s32 s4, s19  }
0x9c: {  	s7 =	simm.s32 $0x0;
	s20 =	sshll.u32 s5, $0x1;
	s5 =	sadd.s32 s21, s3  }
0x9d: {  	[timem:s7], [sflag:s22] =	dma.local [hbm:s5], s20  }
0x9e: {  	_ =	swait.ge [sflag:s22], s20  }
0x9f: {  	s4 =	ssub.s32 $0x0, s20;
	[sflag:s22] =	ssyncset.done $0x0  }
0xa0: {  	[sflag:s22] =	ssyncadd.s32 s4;
	_ =	sdelay $0x1  }
0xa1: {  	s23 =	simm.s32 $0x1B8B  }
0xa2: {  	_ =	swait.ge [sflag:s23], $0x1  }
0xa3: {  	[sflag:s23] =	ssyncset.done $0x0  }
0xa4: {  	s25 =	simm.s32 $0x1B8E;
	s24 =	sld [smem:$0x3FFE];
	[sflag:s23] =	ssyncadd.s32 $0xFFFFFFFF  }
0xa5: {  	s26 =	simm.s32 $execute0_lowered;
	[smem:$0x3FD2] =	sst s25  }
0xa6: {  	s5 =	sshll.u32 s26, $0x1;
	_ =	strace $0x80000046;
	[dreg:$0x1] =	wrdreg $0xFFFFFFFF  }
0xa7: {  	s28 =	simm.s32 $_size_execute0_lowered;
	s3 =	sadd.s32 s3, s5;
	[dreg:$0x0] =	wrdreg $0x0  }
0xa8: {  	s5 =	sshll.u32 s28, $0x1;
	[dreg:$0x2] =	wrdreg s3  }
0xa9: {  	[dreg:$0x3] =	wrdreg s5  }
0xaa: {  	[dreg:$0x4] =	wrdreg $0xC0  }
0xab: {  	_ =	task [dreg:s7], $0x5FFFF  }
0xac: {  	[dreg:$0x1] =	wrdreg $0xFFFFFFFF  }
0xad: {  	[dreg:$0x0] =	wrdreg $0x60  }
0xae: {  	[dreg:$0x2] =	wrdreg s2  }
0xaf: {  	[dreg:$0x3] =	wrdreg s24  }
0xb0: {  	[dreg:$0x4] =	wrdreg $0x9  }
0xb1: {  	_ =	task.clear_ibuf [dreg:s7], $0x5FFFF;
	_ =	strace $0x90000046  }
0xb2: {  	s29 =	simm.s32 $0x9;
	_ =	strace $0x80000048  }
0xb3: {  	_ =	swait.ge [sflag:s29], $0x1  }
0xb4: {  	[sflag:s29] =	ssyncadd.s32 $0xFFFFFFFF  }
0xb5: {  	_ =	strace $0x90000048  }
0xb6: {  	_ =	sfence  }
0xb7: {  	s30 =	sld [smem:$0x0];
	_ =	sdelay $0x2  }
0xb8: {  	s31 =	sshll.u32 s1, $0xD;
	s1 =	sshrl.u32 s1, $0x2  }
0xb9: {  	s3 =	sand.u32 $0x4000, s31;
	s1 =	sadd.s32 s1, s30  }
0xba: {  	s0 =	sor.u32 s3, s0;
	s1 =	sshll.u32 s1, $0x11  }
0xbb: {  	s0 =	sor.u32 s1, s0  }
0xbc: {  	s0 =	sadd.s32 $0x8F2B, s0  }
0xbd: {  	[sflag:s0] =	ssyncadd.remote.s32 $0x1  }
0xbe: {  	_ =	sfence.sel $0xFFFF  }
0xbf: {  	[dreg:$0x0] =	wrdreg $0xFFFFFFFF;
	(pc) =	sbr.abs _section_cstart, $3  }
0xc0: {  	[dreg:$0x1] =	wrdreg $0xFFFFFFFF  }
0xc1: {  	_ =	task.clear_ibuf [dreg:s7], $0x2FFFF;
	_ =	strace $0x9FFFFFFF  }
0xc2: {  	(tm) =	ssettm $0x7FFFFFFF  }
0xc3: {  	_ =	shalt  }
tec
execute0_lowered:
.L_overlay_start_1:
0x0: {  	(tag) =	ssettag $0x1  }
0x1: {  	s1 =	srdreg.scid;
	s4 =	rddreg [dreg:$0x0]  }
0x2: {  	s0 =	stileid.u32;
	s5 =	rddreg [dreg:$0x1];
	s2 =	simm.s32 $0x0  }
0x3: {  	s9 =	simm.s32 $0x5200;
	s11 =	simm.s32 $0x400;
	s12 =	simm.s32 $0x2  }
0x4: {  	s13 =	simm.s32 $0x0;
	s3 =	sand.u32 $0x1, s1;
	s1 =	rddreg [dreg:$0x2]  }
0x5: {  	s28 =	sshll.u32 s0, $0x1;
	s29 =	sshrl.u32 s0, $0x2;
	[smem:$0x7FF] =	sst s2  }
0x6: {  	s10 =	sor.u32 s3, s28;
	s6 =	smul.u32 $0x13C00, s29;
	s3 =	ssub.s32 $0x2, s3  }
0x7: {  	_ =	strace $0x80000047;
	s7 =	sshll.u32 s10, $0x7;
	s8 =	smul.u32 $0x9C0, s10  }
.Ltmp0:
0x8: {  	s30 =	sshrl.u32 s3, $0x1;
	s7 =	sand.u32 $0x380, s7;
	(pc) =	sbr.rel .LBB2_1-.Ltmp0, $4  }
0x9: {  	p0 =	sne.s32 s10, $0x0;
	s10 =	simm.s32 $0x80;
	s6 =	sor.u32 s6, s7  }
0xa: {  	s31 =	ssub.s32 s3, s30;
	s3 =	sadd.s32 s4, s8;
	s6 =	sshrl.u32 s6, $0x3  }
0xb: {  	s4 =	sadd.s32 $0x13800, s4;
	s7 =	simm.s32 $0x4E00;
	s5 =	sadd.s32 s6, s5  }
0xc: {  	v0 =	vimm.s32 $0x0;
	v1 =	vimm.s32 $0x1;
	v2 =	vimm.s32 $0x10000;
	s8 =	simm.s32 $0x1;
	s6 =	smax.u32 s31, $0x1;
	s5 =	sadd.s32 $0x1600, s5  }
.LBB2_8:
0xd: {  	_ =	sdelay $0x4  }
0xe: {  	s14 =	sor.u32 s16, s17;
	[tilespmem:v3+s9+$0x0] =	vst.idx.add.s32.msk vm0, v2  }
0xf: {  	v3 =	vld [tilespmem:s14+$0x4E80];
	_ =	sdelay $0x2  }
0x10: {  	v4 =	vld [tilespmem:s14+$0x4E00];
	_ =	sdelay $0x1  }
0x11: {  	vm15 =	veq.s32 v3, $0x0;
	_ =	sdelay $0x4  }
0x12: {  	[tilespmem:v3+s9+$0x0] =	vst.idx.add.s32.msk $0xffff, v1  }
0x13: {  	[tilespmem:v4+s9+$0x0] =	vst.idx.add.s32.msk vm15, v2  }
.LBB2_9:
0x14: {  	s13 =	sadd.s32 $0x1, s13  }
0x15: {  	p1 =	sne.s32 s13, s6  }
.Ltmp1:
0x16: {  	_ = 	snop;
	(pc) =	sbr.rel @!p1 .LBB2_10-.Ltmp1, $4  }
0x17: {  	[hbm4b:s5+s10] =	stream.strided.scatter [tilespmem:s9], [sflag:$0x2], $0x2780, s11, s10, $0x38;
	[tilespmem:$0x7980] =	vst v63  }
0x18: {  	_ =	swait.ge [sflag:s12], $0x2780  }
0x19: {  	[sflag:s12] =	ssyncset.done $0x0  }
0x1a: {  	[sflag:s12] =	ssyncadd.s32 $0xFFFFD880  }
.LBB2_1:
0x1b: {  	[tilespmem:s2], [sflag:$0x1] =	stream.linear.gather [hbm4b:s3+s2], $0x4E00, $0x38;
	[tilespmem:$0x7980] =	vst v63  }
0x1c: {  	s15 =	simm.s32 $0x100;
	s14 =	simm.s32 $0x0  }
0x1d: {  	[tilespmem:s7], [sflag:$0x1] =	stream.linear.gather [hbm4b:s4+s2], $0x400, $0x38;
	[tilespmem:$0x7980] =	vst v63  }
.LBB2_2:
0x1e: {  	p1 =	sne.s32 s15, $0x9D00;
	[tilespmem:s14+$0x5230] =	vst v0;
	s16 =	smov.u32 s15;
	s15 =	sadd.s32 $0x100, s15  }
.Ltmp2:
0x1f: {  	[tilespmem:s14+$0x5220] =	vst v0;
	(pc) =	sbr.rel @p1 .LBB2_2-.Ltmp2, $3  }
0x20: {  	[tilespmem:s14+$0x5200] =	vst v0  }
0x21: {  	[tilespmem:s14+$0x5210] =	vst v0;
	_ =	sdelay $0x1  }
0x22: {  	s14 =	sshra.s32 s16, $0x2  }
0x23: {  	[tilespmem:s14+$0x5230] =	vst v0  }
0x24: {  	[tilespmem:s14+$0x5220] =	vst v0  }
0x25: {  	[tilespmem:s14+$0x5200] =	vst v0  }
0x26: {  	[tilespmem:s14+$0x5210] =	vst v0  }
0x27: {  	_ =	swait.ge [sflag:s8], $0x4E00  }
0x28: {  	[sflag:s8] =	ssyncset.done $0x0  }
0x29: {  	[sflag:s8] =	ssyncadd.s32 $0xFFFFB200  }
0x2a: {  	s30 =	simm.s32 $0x0;
	_ =	swait.ge [sflag:s8], $0x400  }
0x2b: {  	s15 =	sand.u32 $0x70, s30;
	s14 =	sand.u32 $0x7F00, s30;
	[sflag:s8] =	ssyncset.done $0x0  }
0x2c: {  	s14 =	sor.u32 s15, s14;
	[sflag:s8] =	ssyncadd.s32 $0xFFFFFC00  }
0x2d: {  	v4 =	vld [tilespmem:s14+$0x80];
	_ =	sdelay $0x2  }
0x2e: {  	v3 =	vld [tilespmem:s14+$0x0];
	_ =	sdelay $0x1  }
0x2f: {  	vm0 =	veq.s32 v4, $0x0;
	_ =	sdelay $0x3  }
0x30: {  	s31 =	simm.s32 $0x10;
	s14 =	simm.s32 $0x20  }
0x31: {  	s16 =	sand.u32 $0x70, s31;
	s15 =	simm.s32 $0x20;
	s17 =	sand.u32 $0x7F00, s14;
	[tilespmem:v4+s9+$0x0] =	vst.idx.add.s32.msk $0xffff, v1  }
.LBB2_4:
0x32: {  	p1 =	sne.s32 s15, $0x26F0;
	s16 =	sor.u32 s16, s17;
	[tilespmem:v3+s9+$0x0] =	vst.idx.add.s32.msk vm0, v2  }
0x33: {  	v4 =	vld [tilespmem:s16+$0x80];
	_ =	sdelay $0x2  }
0x34: {  	v3 =	vld [tilespmem:s16+$0x0];
	_ =	sdelay $0x1  }
0x35: {  	vm0 =	veq.s32 v4, $0x0  }
.Ltmp3:
0x36: {  	(pc) =	sbr.rel @p1 .LBB2_4-.Ltmp3, $3  }
0x37: {  	_ =	sdelay $0x1  }
0x38: {  	s14 =	sadd.s32 $0x20, s14  }
0x39: {  	s17 =	sand.u32 $0x7F00, s14;
	s16 =	sand.u32 $0x70, s15;
	s15 =	sadd.s32 $0x10, s15;
	[tilespmem:v4+s9+$0x0] =	vst.idx.add.s32.msk $0xffff, v1  }
0x3a: {  	_ =	sdelay $0x4  }
0x3b: {  	s14 =	sor.u32 s16, s17;
	[tilespmem:v3+s9+$0x0] =	vst.idx.add.s32.msk vm0, v2  }
0x3c: {  	v3 =	vld [tilespmem:s14+$0x80];
	_ =	sdelay $0x2  }
0x3d: {  	v4 =	vld [tilespmem:s14+$0x0];
	_ =	sdelay $0x1  }
0x3e: {  	vm15 =	veq.s32 v3, $0x0;
	_ =	sdelay $0x1  }
.Ltmp4:
0x3f: {  	_ = 	snop;
	(pc) =	sbr.rel @p0 .LBB2_9-.Ltmp4, $3  }
0x40: {  	_ =	sdelay $0x1  }
0x41: {  	[tilespmem:v3+s9+$0x0] =	vst.idx.add.s32.msk $0xffff, v1  }
0x42: {  	[tilespmem:v4+s9+$0x0] =	vst.idx.add.s32.msk vm15, v2  }
0x43: {  	s14 =	simm.s32 $0x0  }
0x44: {  	s15 =	sand.u32 $0x70, s14;
	s14 =	sand.u32 $0x300, s14  }
0x45: {  	s14 =	sor.u32 s15, s14  }
0x46: {  	v4 =	vld [tilespmem:s14+$0x4E80];
	_ =	sdelay $0x2  }
0x47: {  	v3 =	vld [tilespmem:s14+$0x4E00];
	_ =	sdelay $0x1  }
0x48: {  	vm0 =	veq.s32 v4, $0x0;
	_ =	sdelay $0x3  }
0x49: {  	s31 =	simm.s32 $0x10;
	s14 =	simm.s32 $0x20  }
0x4a: {  	s16 =	sand.u32 $0x70, s31;
	s15 =	simm.s32 $0x20;
	s17 =	sand.u32 $0x300, s14;
	[tilespmem:v4+s9+$0x0] =	vst.idx.add.s32.msk $0xffff, v1  }
.LBB2_7:
0x4b: {  	p1 =	sne.s32 s15, $0x1F0;
	s16 =	sor.u32 s16, s17;
	[tilespmem:v3+s9+$0x0] =	vst.idx.add.s32.msk vm0, v2  }
0x4c: {  	v4 =	vld [tilespmem:s16+$0x4E80];
	_ =	sdelay $0x2  }
0x4d: {  	v3 =	vld [tilespmem:s16+$0x4E00];
	_ =	sdelay $0x1  }
0x4e: {  	vm0 =	veq.s32 v4, $0x0  }
.Ltmp5:
0x4f: {  	(pc) =	sbr.rel @p1 .LBB2_7-.Ltmp5, $3  }
0x50: {  	_ =	sdelay $0x1  }
0x51: {  	s14 =	sadd.s32 $0x20, s14  }
0x52: {  	s17 =	sand.u32 $0x300, s14;
	s16 =	sand.u32 $0x70, s15;
	s15 =	sadd.s32 $0x10, s15;
	[tilespmem:v4+s9+$0x0] =	vst.idx.add.s32.msk $0xffff, v1  }
.Ltmp6:
0x53: {  	_ = 	snop;
	(pc) =	sbr.rel .LBB2_8-.Ltmp6, $1  }
0x54: {  	_ =	sdelay $0x3  }
.LBB2_10:
0x55: {  	_ =	sfence.sel $0x180000  }
0x56: {  	[bflag:$0x0] =	sbarrier.arrive $0xFFFF  }
0x57: {  	p0 =	sne.s32 s0, $0x0;
	_ =	strace $0x90000047  }
0x58: {  	s0 =	sadd.s32 @!p0 $0x100000, s1;
	[bflag:$0x2] =	sbarrier.arrive $0xFFFF  }
0x59: {  	[sflag:s0] =	ssyncadd.tile.s32 @!p0 $0x1;
	_ =	shalt  }
.Lfunc_end2:
_tile_overlayer_lowered:
.L_overlay_start_2:
0x5a: {  	(tag) =	ssettag $0x2  }
0x5b: {  	s0 =	rddreg [dreg:$0x0];
	s2 =	stileid.u32  }
0x5c: {  	s1 =	rddreg [dreg:$0x1];
	p0 =	sne.s32 s2, $0x0  }
0x5d: {  	s3 =	rddreg [dreg:$0x2];
	[bflag:$0x3] =	sbarrier.arrive $0xFFFF;
	s2 =	simm.s32 @!p0 $0x1C02  }
0x5e: {  	[timem:s3], [sflag:s2] =	dma.local @!p0 [hbm:s0], s1  }
0x5f: {  	s0 =	simm.s32 @!p0 $0x2  }
0x60: {  	_ =	swait.ge @!p0 [sflag:s0], s1  }
0x61: {  	s1 =	ssub.s32 @!p0 $0x0, s1;
	[sflag:s0] =	ssyncset.done @!p0 $0x0  }
0x62: {  	[sflag:s0] =	ssyncadd.s32 @!p0 s1  }
0x63: {  	[bflag:$0x3] =	sbarrier.arrive $0xFFFF  }
0x64: {  	_ =	shalt  }

</sc_bundles>
